<compile_context>
chip_gen: v7x
topology: tpu7x:2x2x1
jax: 0.10.2.dev20260603
libtpu: 0.0.44.dev20260713+nightly
codegen_flags: <defaults>
</compile_context>

<pallas_src>
import functools

import jax
import jax.numpy as jnp
from jax import lax
from jax.experimental import pallas as pl
from jax.experimental.pallas import tpu as pltpu
from jax.experimental.pallas import tpu_sc as plsc

N = 1048576
D = 32
TOT = N * D

_info = plsc.get_sparse_core_info()
NC, NS = _info.num_cores, _info.num_subcores
NW = NC * NS
PER_W = TOT // NW
CH = 16384
NCH = PER_W // CH


def _flat_gather_indices():
    perm_key = jax.random.key(42)
    keys = jax.random.split(perm_key, D)
    perms = jax.vmap(lambda k: jax.random.permutation(k, N))(keys)
    idx = perms.T.astype(jnp.int32)
    fidx = idx * D + jnp.arange(D, dtype=jnp.int32)[None, :]
    return fidx.reshape(-1)


_mesh = plsc.VectorSubcoreMesh(core_axis_name="c", subcore_axis_name="s")


@functools.partial(
    pl.kernel,
    mesh=_mesh,
    out_type=jax.ShapeDtypeStruct((TOT,), jnp.float32),
    scratch_types=[
        pltpu.VMEM((CH,), jnp.int32),
        pltpu.VMEM((CH,), jnp.float32),
        pltpu.SemaphoreType.DMA,
    ],
)
def _shuffle_flat(zf_hbm, fidx_hbm, out_hbm, idx_v, dat_v, sem):
    wid = lax.axis_index("s") * NC + lax.axis_index("c")
    base = wid * PER_W

    def body(ci, carry):
        off = base + ci * CH
        pltpu.sync_copy(fidx_hbm.at[pl.ds(off, CH)], idx_v)
        pltpu.async_copy(zf_hbm.at[idx_v], dat_v, sem).wait()
        pltpu.sync_copy(dat_v, out_hbm.at[pl.ds(off, CH)])
        return carry

    lax.fori_loop(0, NCH, body, 0)


def kernel(z):
    fidx = _flat_gather_indices()
    out_flat = _shuffle_flat(z.reshape(-1), fidx)
    return out_flat.reshape(N, D)

# --- scband reference (transcript-rebuilt; emitter-appended) ---
"""Pipeline reference for scband-shuffling-45732811768395 (READ-ONLY COPY).

The authoritative reference and input builder live on the scoring server;
editing this copy changes nothing except your own understanding.
"""

import jax, jax.numpy as jnp
import numpy as np

def setup_inputs(seed: int = 0) -> dict:
    key = jax.random.key(seed)
    z = jax.random.normal(key, (1048576, 32), dtype=jnp.float32)
    return {"z": z}

def reference(z) -> jnp.ndarray:
    # Faithful translation: each column of z is independently shuffled
    # with its own random permutation of the row indices.
    n, d = z.shape
    perm_key = jax.random.key(42)
    keys = jax.random.split(perm_key, d)
    # perms[i] is the permutation used for column i, shape [d, n]
    perms = jax.vmap(lambda k: jax.random.permutation(k, n))(keys)
    # out[j, i] = z[perms[i, j], i]  -> gather along axis 0 with per-column indices
    idx = perms.T  # [n, d]
    z_shuffle = jnp.take_along_axis(z, idx, axis=0)
    return z_shuffle

if __name__ == "__main__":
    import jax
    _d = setup_inputs()
    print(jax.jit(kernel)(*tuple(_d.values())))

</pallas_src>

<mosaic_0001>
#map = affine_map<(d0, d1) -> (0)>
module attributes {stable_mosaic.version = 14 : i64} {
  func.func @_shuffle_flat(%arg0: i32, %arg1: i32, %arg2: memref<33554432xf32, #tpu.memory_space<hbm>>, %arg3: memref<33554432xi32, #tpu.memory_space<hbm>>, %arg4: memref<33554432xf32, #tpu.memory_space<hbm>>, %arg5: memref<16384xi32, #tpu.memory_space<vmem>>, %arg6: memref<16384xf32, #tpu.memory_space<vmem>>, %arg7: memref<!tpu.dma_semaphore, #tpu.memory_space<semaphore_mem>>) attributes {dimension_semantics = [#tpu.dimension_semantics<core_parallel>, #tpu.dimension_semantics<subcore_parallel>], iteration_bounds = array<i64: 2, 16>, scalar_prefetch = 0 : i64, scratch_operands = 3 : i64, tpu.core_type = #tpu.core_type<sc_vector_subcore>, window_params = [{transform_indices = #map}, {transform_indices = #map}, {transform_indices = #map}]} {
    %mul3A = arith.constant 2 : i32
    %mul3A_0 = arith.muli %arg1, %mul3A : i32
    %add3A = arith.addi %mul3A_0, %arg0 : i32
    %mul3A_1 = arith.constant 1048576 : i32
    %mul3A_2 = arith.muli %add3A, %mul3A_1 : i32
    %scan3A = arith.constant 0 : i32
    %scan3A_3 = arith.constant 0 : i32
    %scan3A_4 = arith.constant 64 : i32
    %scan3A_5 = arith.addi %scan3A_3, %scan3A_4 : i32
    %scan3A_6 = arith.constant 1 : i32
    scf.for %scan3A_8 = %scan3A_3 to %scan3A_5 step %scan3A_6  : i32 {
      %mul3A_9 = arith.constant 16384 : i32
      %mul3A_10 = arith.muli %scan3A_8, %mul3A_9 : i32
      %add3A_11 = arith.addi %mul3A_2, %mul3A_10 : i32
      "tpu.region"() ({
        %run_scoped3A = tpu.sem_alloc : memref<!tpu.dma_semaphore, #tpu.memory_space<semaphore_mem>>
        %dma_start3A_14 = tpu.memref_slice %arg3[%add3A_11] : memref<33554432xi32, #tpu.memory_space<hbm>> -> memref<16384xi32, #tpu.memory_space<hbm>>
        %dma_start3A_15 = tpu.memref_slice %arg3[%add3A_11] : memref<33554432xi32, #tpu.memory_space<hbm>> -> memref<16384xi32, #tpu.memory_space<hbm>>
        tpu.enqueue_dma source(%dma_start3A_15 : memref<16384xi32, #tpu.memory_space<hbm>>) target(%arg5 : memref<16384xi32, #tpu.memory_space<vmem>>) target_semaphore(%run_scoped3A : memref<!tpu.dma_semaphore, #tpu.memory_space<semaphore_mem>>)
        %dma_wait3A_16 = tpu.memref_slice %arg3[%add3A_11] : memref<33554432xi32, #tpu.memory_space<hbm>> -> memref<16384xi32, #tpu.memory_space<hbm>>
        %dma_wait3A_17 = tpu.memref_slice %arg3[%add3A_11] : memref<33554432xi32, #tpu.memory_space<hbm>> -> memref<16384xi32, #tpu.memory_space<hbm>>
        tpu.wait_dma2 semaphore(%run_scoped3A : memref<!tpu.dma_semaphore, #tpu.memory_space<semaphore_mem>>) src(%dma_wait3A_17 : memref<16384xi32, #tpu.memory_space<hbm>>) dst(%arg5 : memref<16384xi32, #tpu.memory_space<vmem>>)
        tpu.yield
      }) : () -> ()
      %dma_start3A = arith.constant 0 : i32
      %dma_start3A_12 = tpu.memref_slice %arg2[%dma_start3A] : memref<33554432xf32, #tpu.memory_space<hbm>> -> memref<33554432xf32, #tpu.memory_space<hbm>>
      tpu.enqueue_indirect_dma source(%dma_start3A_12 : memref<33554432xf32, #tpu.memory_space<hbm>>) target(%arg6 : memref<16384xf32, #tpu.memory_space<vmem>>) offsets(%arg5 : memref<16384xi32, #tpu.memory_space<vmem>>) semaphore(%arg7 : memref<!tpu.dma_semaphore, #tpu.memory_space<semaphore_mem>>)
      %dma_wait3A = arith.constant 0 : i32
      %dma_wait3A_13 = tpu.memref_slice %arg2[%dma_wait3A] : memref<33554432xf32, #tpu.memory_space<hbm>> -> memref<33554432xf32, #tpu.memory_space<hbm>>
      tpu.wait_indirect_dma semaphore(%arg7 : memref<!tpu.dma_semaphore, #tpu.memory_space<semaphore_mem>>) src(%dma_wait3A_13 : memref<33554432xf32, #tpu.memory_space<hbm>>) dst(%arg6 : memref<16384xf32, #tpu.memory_space<vmem>>)
      "tpu.region"() ({
        %run_scoped3A = tpu.sem_alloc : memref<!tpu.dma_semaphore, #tpu.memory_space<semaphore_mem>>
        %dma_start3A_14 = tpu.memref_slice %arg4[%add3A_11] : memref<33554432xf32, #tpu.memory_space<hbm>> -> memref<16384xf32, #tpu.memory_space<hbm>>
        %dma_start3A_15 = tpu.memref_slice %arg4[%add3A_11] : memref<33554432xf32, #tpu.memory_space<hbm>> -> memref<16384xf32, #tpu.memory_space<hbm>>
        tpu.enqueue_dma source(%arg6 : memref<16384xf32, #tpu.memory_space<vmem>>) target(%dma_start3A_15 : memref<16384xf32, #tpu.memory_space<hbm>>) target_semaphore(%run_scoped3A : memref<!tpu.dma_semaphore, #tpu.memory_space<semaphore_mem>>)
        %dma_wait3A_16 = tpu.memref_slice %arg4[%add3A_11] : memref<33554432xf32, #tpu.memory_space<hbm>> -> memref<16384xf32, #tpu.memory_space<hbm>>
        %dma_wait3A_17 = tpu.memref_slice %arg4[%add3A_11] : memref<33554432xf32, #tpu.memory_space<hbm>> -> memref<16384xf32, #tpu.memory_space<hbm>>
        tpu.wait_dma2 semaphore(%run_scoped3A : memref<!tpu.dma_semaphore, #tpu.memory_space<semaphore_mem>>) src(%arg6 : memref<16384xf32, #tpu.memory_space<vmem>>) dst(%dma_wait3A_17 : memref<16384xf32, #tpu.memory_space<hbm>>)
        tpu.yield
      }) : () -> ()
    }
    %scan3A_7 = arith.constant 64 : i32
    return
  }
}

</mosaic_0001>

<sc_bundles>
// kernel: kernel.3.cloned.1.call-start
scs
__scs_entry_jumppad:
0x0: {  	(pc) =	sbr.rel $0x88, $3  }
0x1: {  	(tag) =	ssettag $0x0;
	lr =	simm.s32 $0x1  }
0x2: {  	[smem:$0x3FA0] =	sst lr;
	_ =	strace $0xD0000000  }
0x3: {  	_ = 	snop  }
0x4: {  	_ = 	snop  }
0x5: {  	_ = 	snop  }
0x6: {  	_ = 	snop  }
0x7: {  	_ = 	snop  }
__scs_overlays_trampoline_lowered:
0x8: {  	[smem:$0x3FAF] =	sst s0  }
0x9: {  	[smem:$0x3FB0] =	sst s1  }
0xa: {  	[smem:$0x3FB1] =	sst s2  }
0xb: {  	[smem:$0x3FB2] =	sst s3  }
0xc: {  	[smem:$0x3FB3] =	sst s4  }
0xd: {  	[smem:$0x3FB4] =	sst s5  }
0xe: {  	[smem:$0x3FB5] =	sst s6  }
0xf: {  	[smem:$0x3FB6] =	sst s7  }
0x10: {  	[smem:$0x3FB7] =	sst s8  }
0x11: {  	[smem:$0x3FB8] =	sst s9;
	s0 =	simm.s32 @!p0 $0x0  }
0x12: {  	s1 =	sld [smem:$0x3F9E];
	s0 =	simm.s32 @p0 $0x1  }
0x13: {  	[smem:$0x3FB9] =	sst s0;
	s0 =	simm.s32 @!p1 $0x0  }
0x14: {  	s2 =	sld [smem:$0x3F9D];
	s0 =	simm.s32 @p1 $0x1  }
0x15: {  	[smem:$0x3FBA] =	sst s0;
	s0 =	simm.s32 @!p2 $0x0  }
0x16: {  	s3 =	sld [smem:$0x3FDB];
	s0 =	simm.s32 @p2 $0x1  }
0x17: {  	s4 =	simm.s32 $0x1BF5;
	[smem:$0x3FBC] =	sst s0  }
0x18: {  	s0 =	sld [smem:$0x3F9F];
	_ =	swait.ge [sflag:s4], $0x0  }
0x19: {  	s7 =	sld [smem:$0x3FA0]  }
0x1a: {  	s8 =	sadd.s32 $0xFFFFE003, lr  }
0x1b: {  	s9 =	sadd.s32 $0xFFFFFEF7, lr;
	s5 =	simm.s32 $0xFFFFFFFF;
	p2 =	slt.u32 s8, $0xFFFFF086  }
0x1c: {  	p1 =	slt.u32 s9, $0xF7A;
	s5 =	simm.s32 @!p2 $0x0  }
0x1d: {  	s5 =	simm.s32 @p1 $0x1;
	p0 =	seq.s32 s7, s2  }
0x1e: {  	s7 =	smul.u32 @!p0 $0xF7A, s2;
	p2 =	seq.s32 @!p0 s5, $0x0  }
0x1f: {  	s9 =	smul.u32 $0xF7A, s1;
	s8 =	simm.s32 @!p0 $0x1BF5;
	p2 =	por !p2, p0  }
0x20: {  	[sflag:s8] =	ssyncset.s32 @!p0 $0xFFFFF086;
	s6 =	sadd.s32 @!p0 s3, s7;
	s7 =	simm.s32 @!p0 $0x108  }
0x21: {  	s3 =	sadd.s32 s3, s9;
	s6 =	sadd.s32 @!p0 $0x88, s6;
	s7 =	simm.s32 @p2 $0x1082  }
0x22: {  	[simem:s7], [sflag:s8] =	dma.local @!p0 [hbm:s6], $0xF7A  }
0x23: {  	s9 =	sor.u32 $0xD0000000, s2;
	s6 =	simm.s32 $0x108;
	_ =	swait.ge @!p0 [sflag:s8], $0x0  }
0x24: {  	s3 =	sadd.s32 $0x88, s3;
	s6 =	simm.s32 @!p1 $0x1082;
	[sflag:s4] =	ssyncset.s32 $0xFFFFF086  }
0x25: {  	[simem:s6], [sflag:s4] =	dma.local [hbm:s3], $0xF7A  }
0x26: {  	[smem:$0x3FA0] =	sst s1;
	(tag) =	ssettag s2;
	_ =	strace s9  }
0x27: {  	s1 =	sld [smem:$0x3FB0]  }
0x28: {  	s2 =	sld [smem:$0x3FB1]  }
0x29: {  	s4 =	sld [smem:$0x3FB3]  }
0x2a: {  	p0 =	seq.s32 s5, $0x0;
	s5 =	sld [smem:$0x3FB4]  }
0x2b: {  	s6 =	sld [smem:$0x3FB5]  }
0x2c: {  	s7 =	sld [smem:$0x3FB6]  }
0x2d: {  	s3 =	simm.s32 $0x108;
	s8 =	sld [smem:$0x3FB7]  }
0x2e: {  	s3 =	simm.s32 @!p0 $0x1082;
	s9 =	sld [smem:$0x3FB8]  }
0x2f: {  	lr =	sadd.s32 s0, s3;
	s0 =	sld [smem:$0x3FAF]  }
0x30: {  	s3 =	sld [smem:$0x3FB2]  }
0x31: {  	[smem:$0x3FBB] =	sst s10  }
0x32: {  	s10 =	sld [smem:$0x3FB9];
	_ =	sdelay $0x3  }
0x33: {  	p0 =	seq.s32 s10, $0x1;
	s10 =	sld [smem:$0x3FBB];
	_ =	sdelay $0x3  }
0x34: {  	[smem:$0x3FBB] =	sst s10  }
0x35: {  	s10 =	sld [smem:$0x3FBA];
	_ =	sdelay $0x3  }
0x36: {  	p1 =	seq.s32 s10, $0x1;
	s10 =	sld [smem:$0x3FBB];
	_ =	sdelay $0x3  }
0x37: {  	[smem:$0x3FBB] =	sst s10  }
0x38: {  	s10 =	sld [smem:$0x3FBC]  }
0x39: {  	_ = 	snop;
	(pc) =	sbr.ind lr, $3  }
0x3a: {  	_ = 	snop  }
0x3b: {  	_ = 	snop  }
0x3c: {  	p2 =	seq.s32 s10, $0x1;
	s10 =	sld [smem:$0x3FBB]  }
0x3d: {  	_ =	shalt  }
0x3e: {  	_ =	shalt  }
0x3f: {  	_ =	shalt  }
0x40: {  	_ =	shalt  }
0x41: {  	_ =	shalt  }
0x42: {  	_ =	shalt  }
0x43: {  	_ =	shalt  }
0x44: {  	_ =	shalt  }
0x45: {  	_ =	shalt  }
0x46: {  	_ =	shalt  }
0x47: {  	_ =	shalt  }
0x48: {  	_ =	shalt  }
0x49: {  	_ =	shalt  }
0x4a: {  	_ =	shalt  }
0x4b: {  	_ =	shalt  }
0x4c: {  	_ =	shalt  }
0x4d: {  	_ =	shalt  }
0x4e: {  	_ =	shalt  }
0x4f: {  	_ =	shalt  }
0x50: {  	_ =	shalt  }
0x51: {  	_ =	shalt  }
0x52: {  	_ =	shalt  }
0x53: {  	_ =	shalt  }
0x54: {  	_ =	shalt  }
0x55: {  	_ =	shalt  }
0x56: {  	_ =	shalt  }
0x57: {  	_ =	shalt  }
0x58: {  	_ =	shalt  }
0x59: {  	_ =	shalt  }
0x5a: {  	_ =	shalt  }
0x5b: {  	_ =	shalt  }
0x5c: {  	_ =	shalt  }
0x5d: {  	_ =	shalt  }
0x5e: {  	_ =	shalt  }
0x5f: {  	_ =	shalt  }
0x60: {  	_ =	shalt  }
0x61: {  	_ =	shalt  }
0x62: {  	_ =	shalt  }
0x63: {  	_ =	shalt  }
0x64: {  	_ =	shalt  }
0x65: {  	_ =	shalt  }
0x66: {  	_ =	shalt  }
0x67: {  	_ =	shalt  }
0x68: {  	_ =	shalt  }
0x69: {  	_ =	shalt  }
0x6a: {  	_ =	shalt  }
0x6b: {  	_ =	shalt  }
0x6c: {  	_ =	shalt  }
0x6d: {  	_ =	shalt  }
0x6e: {  	_ =	shalt  }
0x6f: {  	_ =	shalt  }
0x70: {  	_ =	shalt  }
0x71: {  	_ =	shalt  }
0x72: {  	_ =	shalt  }
0x73: {  	_ =	shalt  }
0x74: {  	_ =	shalt  }
0x75: {  	_ =	shalt  }
0x76: {  	_ =	shalt  }
0x77: {  	_ =	shalt  }
0x78: {  	_ =	shalt  }
0x79: {  	_ =	shalt  }
0x7a: {  	_ =	shalt  }
0x7b: {  	_ =	shalt  }
0x7c: {  	_ =	shalt  }
0x7d: {  	_ =	shalt  }
0x7e: {  	_ =	shalt  }
0x7f: {  	_ =	shalt  }
0x80: {  	_ =	shalt  }
0x81: {  	_ =	shalt  }
0x82: {  	_ =	shalt  }
0x83: {  	_ =	shalt  }
0x84: {  	_ =	shalt  }
0x85: {  	_ =	shalt  }
0x86: {  	_ =	shalt  }
0x87: {  	_ =	shalt  }
.Lfunc_end0:
.L_simem_size_0:
called_computation.2_lowered:
.L_overlay_start_0:
0x88: {  	s2 =	sld [smem:$0x3FD9]  }
0x89: {  	s3 =	sld [smem:$0x3FFE];
	_ =	sdelay $0x1  }
0x8a: {  	s1 =	srdreg.scid  }
0x8b: {  	s0 =	sand.u32 $0x1, s1  }
0x8c: {  	s17 =	sshll.u32 s0, $0xA;
	s2 =	sadd.s32 s3, s2  }
0x8d: {  	s2 =	sadd.s32 s2, s17  }
0x8e: {  	[smem:$0x3FC7] =	sst s2  }
0x8f: {  	_ = 	snop  }
0x90: {  	s2 =	sld [smem:$0x3FD0];
	(tm) =	ssettm $0x1  }
0x91: {  	s18 =	sld [smem:$0x3FFB];
	_ =	sdelay $0x3  }
0x92: {  	_ =	strace s18  }
0x93: {  	s3 =	sld [smem:$0x3FFC];
	_ =	sdelay $0x3  }
0x94: {  	_ =	strace s3  }
0x95: {  	s3 =	sld [smem:$0x3FFD];
	_ =	sdelay $0x3  }
0x96: {  	_ =	strace s3  }
0x97: {  	_ =	strace $0x8FFFFFFF  }
0x98: {  	s19 =	sld [smem:$0x3FDB];
	_ =	sdelay $0x1  }
0x99: {  	s4 =	simm.s32 $_scs_section_size  }
0x9a: {  	s5 =	simm.s32 $_size__tile_overlayer_lowered;
	s6 =	simm.s32 $_tile_overlayer_lowered  }
0x9b: {  	s22 =	simm.s32 $0x1BFF;
	s21 =	sshll.u32 s6, $0x1;
	s3 =	sadd.s32 s4, s19  }
0x9c: {  	s7 =	simm.s32 $0x0;
	s20 =	sshll.u32 s5, $0x1;
	s5 =	sadd.s32 s21, s3  }
0x9d: {  	[timem:s7], [sflag:s22] =	dma.local [hbm:s5], s20  }
0x9e: {  	_ =	swait.ge [sflag:s22], s20  }
0x9f: {  	s4 =	ssub.s32 $0x0, s20;
	[sflag:s22] =	ssyncset.done $0x0  }
0xa0: {  	[sflag:s22] =	ssyncadd.s32 s4;
	_ =	sdelay $0x1  }
0xa1: {  	s23 =	simm.s32 $0x1B8B  }
0xa2: {  	_ =	swait.ge [sflag:s23], $0x1  }
0xa3: {  	[sflag:s23] =	ssyncset.done $0x0  }
0xa4: {  	s25 =	simm.s32 $0x1B8E;
	s24 =	sld [smem:$0x3FFE];
	[sflag:s23] =	ssyncadd.s32 $0xFFFFFFFF  }
0xa5: {  	s26 =	simm.s32 $execute0_lowered;
	[smem:$0x3FD2] =	sst s25  }
0xa6: {  	s5 =	sshll.u32 s26, $0x1;
	_ =	strace $0x80000049;
	[dreg:$0x1] =	wrdreg $0xFFFFFFFF  }
0xa7: {  	s28 =	simm.s32 $_size_execute0_lowered;
	s3 =	sadd.s32 s3, s5;
	[dreg:$0x0] =	wrdreg $0x0  }
0xa8: {  	s5 =	sshll.u32 s28, $0x1;
	[dreg:$0x2] =	wrdreg s3  }
0xa9: {  	[dreg:$0x3] =	wrdreg s5  }
0xaa: {  	[dreg:$0x4] =	wrdreg $0xC0  }
0xab: {  	_ =	task [dreg:s7], $0x5FFFF  }
0xac: {  	[dreg:$0x1] =	wrdreg $0xFFFFFFFF  }
0xad: {  	[dreg:$0x0] =	wrdreg $0x60  }
0xae: {  	[dreg:$0x2] =	wrdreg s2  }
0xaf: {  	[dreg:$0x3] =	wrdreg s24  }
0xb0: {  	[dreg:$0x4] =	wrdreg $0x9  }
0xb1: {  	_ =	task.clear_ibuf [dreg:s7], $0x5FFFF;
	_ =	strace $0x90000049  }
0xb2: {  	s29 =	simm.s32 $0x9;
	_ =	strace $0x8000004B  }
0xb3: {  	_ =	swait.ge [sflag:s29], $0x1  }
0xb4: {  	[sflag:s29] =	ssyncadd.s32 $0xFFFFFFFF  }
0xb5: {  	_ =	strace $0x9000004B  }
0xb6: {  	_ =	sfence  }
0xb7: {  	s30 =	sld [smem:$0x0];
	_ =	sdelay $0x2  }
0xb8: {  	s31 =	sshll.u32 s1, $0xD;
	s1 =	sshrl.u32 s1, $0x2  }
0xb9: {  	s3 =	sand.u32 $0x4000, s31;
	s1 =	sadd.s32 s1, s30  }
0xba: {  	s0 =	sor.u32 s3, s0;
	s1 =	sshll.u32 s1, $0x11  }
0xbb: {  	s0 =	sor.u32 s1, s0  }
0xbc: {  	s0 =	sadd.s32 $0x8F2B, s0  }
0xbd: {  	[sflag:s0] =	ssyncadd.remote.s32 $0x1  }
0xbe: {  	_ =	sfence.sel $0xFFFF  }
0xbf: {  	[dreg:$0x0] =	wrdreg $0xFFFFFFFF;
	(pc) =	sbr.abs _section_cstart, $3  }
0xc0: {  	[dreg:$0x1] =	wrdreg $0xFFFFFFFF  }
0xc1: {  	_ =	task.clear_ibuf [dreg:s7], $0x2FFFF;
	_ =	strace $0x9FFFFFFF  }
0xc2: {  	(tm) =	ssettm $0x7FFFFFFF  }
0xc3: {  	_ =	shalt  }
tec
execute0_lowered:
.L_overlay_start_1:
0x0: {  	(tag) =	ssettag $0x1  }
0x1: {  	s1 =	rddreg [dreg:$0x0]  }
0x2: {  	s4 =	rddreg [dreg:$0x1]  }
0x3: {  	s0 =	rddreg [dreg:$0x2];
	s5 =	srdreg.scid  }
0x4: {  	s3 =	simm.s32 $0x0;
	s2 =	stileid.u32;
	s9 =	simm.s32 $0x1  }
0x5: {  	s10 =	simm.s32 $0x0;
	s5 =	sand.u32 $0x1, s5;
	[smem:$0x7FF] =	sst s3  }
0x6: {  	s7 =	sshll.u32 s2, $0x12;
	s6 =	ssub.s32 $0x2, s5;
	s5 =	sshll.u32 s5, $0x11  }
0x7: {  	s4 =	sadd.s32 s7, s4;
	_ =	strace $0x8000004A;
	s8 =	sshrl.u32 s6, $0x1  }
0x8: {  	s7 =	simm.s32 $0x2;
	s4 =	sadd.s32 s5, s4;
	s6 =	ssub.s32 s6, s8  }
0x9: {  	s8 =	simm.s32 $0x4000;
	s5 =	smax.u32 s6, $0x1;
	s6 =	sadd.s32 $0x400000, s4  }
.LBB2_1:
0xa: {  	s11 =	sadd.s32 $0x0, s4  }
0xb: {  	[tilespmem:s3], [sflag:$0x2] =	stream.linear.gather [hbm4b:s11+s3], $0x4000, $0x38;
	[tilespmem:$0x8000] =	vst v63  }
0xc: {  	_ =	swait.ge [sflag:s7], $0x4000  }
0xd: {  	[sflag:s7] =	ssyncset.done $0x0  }
0xe: {  	[sflag:s7] =	ssyncadd.s32 $0xFFFFC000  }
0xf: {  	[tilespmem:s8], [sflag:$0x1] =	stream.indirect.gather [hbm4b:s1+s8], $0x1, s3, s8, $0xb8;
	[tilespmem:$0x8000] =	vst v63  }
0x10: {  	_ =	swait.ge [sflag:s9], $0x4000  }
0x11: {  	[sflag:s9] =	ssyncset.done $0x0  }
0x12: {  	s31 =	sadd.s32 $0x0, s6;
	[sflag:s9] =	ssyncadd.s32 $0xFFFFC000  }
0x13: {  	[hbm4b:s31+s3] =	stream.linear.scatter [tilespmem:s8], [sflag:$0x2], $0x4000, $0x38;
	[tilespmem:$0x8000] =	vst v63  }
0x14: {  	_ =	swait.ge [sflag:s7], $0x4000  }
0x15: {  	s12 =	simm.s32 $0x1000;
	s11 =	simm.s32 $0x800;
	[sflag:s7] =	ssyncset.done $0x0  }
.LBB2_2:
0x16: {  	s13 =	sadd.s32 s11, s4  }
0x17: {  	[sflag:s7] =	ssyncadd.s32 $0xFFFFC000;
	s14 =	smov.u32 s12;
	s15 =	sadd.s32 $0x800, s12  }
0x18: {  	[tilespmem:s3], [sflag:$0x2] =	stream.linear.gather [hbm4b:s13+s3], $0x4000, $0x38;
	[tilespmem:$0x8000] =	vst v63  }
0x19: {  	p0 =	sne.s32 s12, $0x1F800;
	_ =	swait.ge [sflag:s7], $0x4000  }
0x1a: {  	[sflag:s7] =	ssyncset.done $0x0  }
0x1b: {  	[sflag:s7] =	ssyncadd.s32 $0xFFFFC000  }
0x1c: {  	[tilespmem:s8], [sflag:$0x1] =	stream.indirect.gather [hbm4b:s1+s8], $0x1, s3, s8, $0xb8;
	[tilespmem:$0x8000] =	vst v63  }
0x1d: {  	_ =	swait.ge [sflag:s9], $0x4000  }
.Ltmp0:
0x1e: {  	[sflag:s9] =	ssyncset.done $0x0;
	(pc) =	sbr.rel @p0 .LBB2_2-.Ltmp0, $4  }
0x1f: {  	s12 =	sadd.s32 s11, s6;
	s11 =	smov.u32 s14;
	[sflag:s9] =	ssyncadd.s32 $0xFFFFC000  }
0x20: {  	[hbm4b:s12+s3] =	stream.linear.scatter [tilespmem:s8], [sflag:$0x2], $0x4000, $0x38;
	[tilespmem:$0x8000] =	vst v63  }
0x21: {  	_ =	swait.ge [sflag:s7], $0x4000  }
0x22: {  	s12 =	smov.u32 s15;
	[sflag:s7] =	ssyncset.done $0x0  }
0x23: {  	s12 =	sadd.s32 s11, s4;
	[sflag:s7] =	ssyncadd.s32 $0xFFFFC000  }
0x24: {  	[tilespmem:s3], [sflag:$0x2] =	stream.linear.gather [hbm4b:s12+s3], $0x4000, $0x38;
	[tilespmem:$0x8000] =	vst v63  }
0x25: {  	_ =	swait.ge [sflag:s7], $0x4000  }
0x26: {  	[sflag:s7] =	ssyncset.done $0x0  }
0x27: {  	[sflag:s7] =	ssyncadd.s32 $0xFFFFC000  }
0x28: {  	[tilespmem:s8], [sflag:$0x1] =	stream.indirect.gather [hbm4b:s1+s8], $0x1, s3, s8, $0xb8;
	[tilespmem:$0x8000] =	vst v63  }
0x29: {  	s10 =	sadd.s32 $0x1, s10;
	_ =	swait.ge [sflag:s9], $0x4000  }
0x2a: {  	p0 =	sne.s32 s10, s5;
	[sflag:s9] =	ssyncset.done $0x0  }
.Ltmp1:
0x2b: {  	s31 =	sadd.s32 s11, s6;
	[sflag:s9] =	ssyncadd.s32 $0xFFFFC000;
	(pc) =	sbr.rel @p0 .LBB2_1-.Ltmp1, $4  }
0x2c: {  	[hbm4b:s31+s3] =	stream.linear.scatter [tilespmem:s8], [sflag:$0x2], $0x4000, $0x38;
	[tilespmem:$0x8000] =	vst v63  }
0x2d: {  	_ =	swait.ge [sflag:s7], $0x4000  }
0x2e: {  	[sflag:s7] =	ssyncset.done $0x0  }
0x2f: {  	[sflag:s7] =	ssyncadd.s32 $0xFFFFC000  }
0x30: {  	_ =	sfence.sel $0x180000  }
0x31: {  	[bflag:$0x0] =	sbarrier.arrive $0xFFFF  }
0x32: {  	p0 =	sne.s32 s2, $0x0;
	_ =	strace $0x9000004A  }
0x33: {  	s0 =	sadd.s32 @!p0 $0x100000, s0;
	[bflag:$0x2] =	sbarrier.arrive $0xFFFF  }
0x34: {  	[sflag:s0] =	ssyncadd.tile.s32 @!p0 $0x1;
	_ =	shalt  }
.Lfunc_end2:
_tile_overlayer_lowered:
.L_overlay_start_2:
0x35: {  	(tag) =	ssettag $0x2  }
0x36: {  	s0 =	rddreg [dreg:$0x0];
	s2 =	stileid.u32  }
0x37: {  	s1 =	rddreg [dreg:$0x1];
	p0 =	sne.s32 s2, $0x0  }
0x38: {  	s3 =	rddreg [dreg:$0x2];
	[bflag:$0x3] =	sbarrier.arrive $0xFFFF;
	s2 =	simm.s32 @!p0 $0x1C02  }
0x39: {  	[timem:s3], [sflag:s2] =	dma.local @!p0 [hbm:s0], s1  }
0x3a: {  	s0 =	simm.s32 @!p0 $0x2  }
0x3b: {  	_ =	swait.ge @!p0 [sflag:s0], s1  }
0x3c: {  	s1 =	ssub.s32 @!p0 $0x0, s1;
	[sflag:s0] =	ssyncset.done @!p0 $0x0  }
0x3d: {  	[sflag:s0] =	ssyncadd.s32 @!p0 s1  }
0x3e: {  	[bflag:$0x3] =	sbarrier.arrive $0xFFFF  }
0x3f: {  	_ =	shalt  }

// kernel: sparse-core-data-format-call.1.cloned.1.call-start
scs
called_computation.1_lowered:
.L_overlay_start_0:
0x0: {  	s1 =	sld [smem:$0x3FD9]  }
0x1: {  	s2 =	sld [smem:$0x3FFE];
	_ =	sdelay $0x1  }
0x2: {  	s3 =	srdreg.scid  }
0x3: {  	s0 =	sand.u32 $0x1, s3  }
0x4: {  	s17 =	sshll.u32 s0, $0xA;
	s1 =	sadd.s32 s2, s1  }
0x5: {  	s1 =	sadd.s32 s1, s17  }
0x6: {  	[smem:$0x3FC7] =	sst s1  }
0x7: {  	_ = 	snop  }
0x8: {  	(tm) =	ssettm $0x1  }
0x9: {  	s18 =	sld [smem:$0x3FFB];
	_ =	sdelay $0x3  }
0xa: {  	_ =	strace s18  }
0xb: {  	s1 =	sld [smem:$0x3FFC];
	_ =	sdelay $0x3  }
0xc: {  	_ =	strace s1  }
0xd: {  	s1 =	sld [smem:$0x3FFD];
	_ =	sdelay $0x3  }
0xe: {  	_ =	strace s1  }
0xf: {  	_ =	strace $0x8FFFFFFF  }
0x10: {  	s19 =	sld [smem:$0x3FDB];
	_ =	sdelay $0x1  }
0x11: {  	s20 =	simm.s32 $_scs_section_size  }
0x12: {  	s4 =	simm.s32 $_size__tile_overlayer_lowered;
	s5 =	simm.s32 $_tile_overlayer_lowered  }
0x13: {  	s23 =	simm.s32 $0x1BFF;
	s22 =	sshll.u32 s5, $0x1;
	s1 =	sadd.s32 s20, s19  }
0x14: {  	s6 =	simm.s32 $0x0;
	s21 =	sshll.u32 s4, $0x1;
	s4 =	sadd.s32 s22, s1  }
0x15: {  	[timem:s6], [sflag:s23] =	dma.local [hbm:s4], s21  }
0x16: {  	_ =	swait.ge [sflag:s23], s21  }
0x17: {  	s2 =	ssub.s32 $0x0, s21;
	[sflag:s23] =	ssyncset.done $0x0  }
0x18: {  	[sflag:s23] =	ssyncadd.s32 s2;
	_ =	sdelay $0x1  }
0x19: {  	s24 =	simm.s32 $0x1B8B  }
0x1a: {  	_ =	swait.ge [sflag:s24], $0x1  }
0x1b: {  	[sflag:s24] =	ssyncset.done $0x0  }
0x1c: {  	s26 =	simm.s32 $0x1B8E;
	s25 =	sld [smem:$0x3FFE];
	[sflag:s24] =	ssyncadd.s32 $0xFFFFFFFF  }
0x1d: {  	s27 =	simm.s32 $execute0_lowered;
	[smem:$0x3FD2] =	sst s26  }
0x1e: {  	s4 =	sshll.u32 s27, $0x1;
	_ =	strace $0x80000046;
	[dreg:$0x1] =	wrdreg $0xFFFFFFFF  }
0x1f: {  	s28 =	simm.s32 $_size_execute0_lowered;
	s1 =	sadd.s32 s1, s4;
	[dreg:$0x0] =	wrdreg $0x0  }
0x20: {  	s4 =	sshll.u32 s28, $0x1;
	[dreg:$0x2] =	wrdreg s1  }
0x21: {  	[dreg:$0x3] =	wrdreg s4  }
0x22: {  	[dreg:$0x4] =	wrdreg $0xC0  }
0x23: {  	_ =	task [dreg:s6], $0x5FFFF  }
0x24: {  	[dreg:$0x1] =	wrdreg $0xFFFFFFFF  }
0x25: {  	[dreg:$0x0] =	wrdreg $0x60  }
0x26: {  	[dreg:$0x2] =	wrdreg s25  }
0x27: {  	[dreg:$0x3] =	wrdreg $0x9  }
0x28: {  	_ =	task.clear_ibuf [dreg:s6], $0x4FFFF;
	_ =	strace $0x90000046  }
0x29: {  	s29 =	simm.s32 $0x9;
	_ =	strace $0x80000048  }
0x2a: {  	_ =	swait.ge [sflag:s29], $0x1  }
0x2b: {  	[sflag:s29] =	ssyncadd.s32 $0xFFFFFFFF  }
0x2c: {  	_ =	strace $0x90000048  }
0x2d: {  	_ =	sfence  }
0x2e: {  	s30 =	sld [smem:$0x0];
	_ =	sdelay $0x2  }
0x2f: {  	s31 =	sshll.u32 s3, $0xD;
	s3 =	sshrl.u32 s3, $0x2  }
0x30: {  	s2 =	sand.u32 $0x4000, s31;
	s1 =	sadd.s32 s3, s30  }
0x31: {  	s0 =	sor.u32 s2, s0;
	s1 =	sshll.u32 s1, $0x11  }
0x32: {  	s0 =	sor.u32 s1, s0  }
0x33: {  	s0 =	sadd.s32 $0x8F2B, s0  }
0x34: {  	[sflag:s0] =	ssyncadd.remote.s32 $0x1  }
0x35: {  	_ =	sfence.sel $0xFFFF  }
0x36: {  	[dreg:$0x0] =	wrdreg $0xFFFFFFFF;
	(pc) =	sbr.abs _section_cstart, $3  }
0x37: {  	[dreg:$0x1] =	wrdreg $0xFFFFFFFF  }
0x38: {  	_ =	task.clear_ibuf [dreg:s6], $0x2FFFF;
	_ =	strace $0x9FFFFFFF  }
0x39: {  	(tm) =	ssettm $0x7FFFFFFF  }
tec
execute0_lowered:
.L_overlay_start_1:
0x0: {  	(tag) =	ssettag $0x1  }
0x1: {  	s0 =	srdreg.scid  }
0x2: {  	s3 =	rddreg [dreg:$0x0];
	s1 =	sshll.u32 s0, $0x4  }
0x3: {  	s6 =	simm.s32 $0x1;
	s0 =	stileid.u32;
	s1 =	sand.u32 $0x10, s1  }
0x4: {  	s7 =	simm.s32 $0x2;
	s13 =	simm.s32 $0x0;
	s1 =	sor.u32 s0, s1  }
0x5: {  	s8 =	simm.s32 $0x80;
	s12 =	simm.s32 $0x0;
	s2 =	sshll.u32 s1, $0x9  }
0x6: {  	s10 =	simm.s32 $0x0;
	s11 =	simm.s32 $0x0;
	s5 =	ssub.s32 $0x100000, s2  }
.Ltmp0:
0x7: {  	s1 =	rddreg [dreg:$0x1];
	s4 =	sand.u32 $0x3E00, s5;
	(pc) =	sbr.rel .LBB1_1-.Ltmp0, $4  }
0x8: {  	_ =	strace $0x80000047;
	s9 =	smov.u32 s2;
	p0 =	sne.s32 s4, $0x0  }
0x9: {  	s5 =	sshrl.u32 s5, $0xE;
	s4 =	simm.s32 $0x1;
	s6 =	simm.s32 @!p0 $0x0  }
0xa: {  	[sflag:s4] =	ssyncpa.u1 $0x0;
	p0 =	por $0x0, $0x0;
	s5 =	sadd.s32 s6, s5  }
0xb: {  	s6 =	sadd.s32 $0x400000, s3;
	[sflag:s7] =	ssyncpa.u1 $0x0;
	s7 =	sadd.s32 $0x1, s5  }
.LBB1_4:
0xc: {  	_ = 	snop  }
0xd: {  	[tilespmem:s18+$0x2D60 ss:$0x21] =	vst.msk $0xffff, v7  }
0xe: {  	[tilespmem:s18+$0x2F70 ss:$0x21] =	vst.msk $0xffff, v6  }
0xf: {  	[tilespmem:s18+$0x3390 ss:$0x21] =	vst.msk $0xffff, v3  }
0x10: {  	s21 =	sor.u32 s24, s23;
	v31 =	vld.idx.msk [tilespmem:v0+s16+$0xC70 ss:$0x1], $0xffff;
	[tilespmem:s18+$0x35A0 ss:$0x21] =	vst.msk $0xffff, v1  }
0x11: {  	[tilespmem:s18+$0x37B0 ss:$0x21] =	vst.msk $0xffff, v2;
	v43 =	vld.idx.msk [tilespmem:v0+s21+$0x410 ss:$0x1], $0xffff  }
0x12: {  	[tilespmem:s18+$0x39C0 ss:$0x21] =	vst.msk $0xffff, v4;
	v44 =	vld.idx.msk [tilespmem:v0+s21+$0x420 ss:$0x1], $0xffff  }
0x13: {  	[tilespmem:s18+$0x3BD0 ss:$0x21] =	vst.msk $0xffff, v5;
	s22 =	sand.u32 $0x3200, s21;
	v45 =	vld.idx.msk [tilespmem:v0+s21+$0x430 ss:$0x1], $0xffff  }
0x14: {  	s20 =	sand.u32 $0x180, s20;
	s27 =	sshra.s32 s19, $0x2;
	[tilespmem:s18+$0x3DE0 ss:$0x21] =	vst.msk $0xffff, v8;
	v46 =	vld.idx.msk [tilespmem:v0+s21+$0x440 ss:$0x1], $0xffff;
	s15 =	sadd.s32 s22, s15  }
0x15: {  	v47 =	vld.idx.msk [tilespmem:v0+s21+$0x450 ss:$0x1], $0xffff;
	s26 =	sadd.s32 s20, s15;
	s15 =	sadd.s32 s27, s17;
	[tilespmem:s18+$0x3FF0 ss:$0x21] =	vst.msk $0xffff, v31  }
0x16: {  	v48 =	vld.idx.msk [tilespmem:v0+s21+$0x460 ss:$0x1], $0xffff;
	[tilespmem:s15+$0x1290 ss:$0x21] =	vst.msk $0xffff, v43  }
0x17: {  	v49 =	vld.idx.msk [tilespmem:v0+s21+$0x470 ss:$0x1], $0xffff;
	[tilespmem:s15+$0x14A0 ss:$0x21] =	vst.msk $0xffff, v44  }
0x18: {  	v50 =	vld.idx.msk [tilespmem:v0+s21+$0x810 ss:$0x1], $0xffff;
	[tilespmem:s15+$0x16B0 ss:$0x21] =	vst.msk $0xffff, v45  }
0x19: {  	v51 =	vld.idx.msk [tilespmem:v0+s21+$0x820 ss:$0x1], $0xffff;
	[tilespmem:s15+$0x18C0 ss:$0x21] =	vst.msk $0xffff, v46  }
0x1a: {  	v52 =	vld.idx.msk [tilespmem:v0+s21+$0x830 ss:$0x1], $0xffff;
	[tilespmem:s15+$0x1AD0 ss:$0x21] =	vst.msk $0xffff, v47  }
0x1b: {  	v53 =	vld.idx.msk [tilespmem:v0+s21+$0x840 ss:$0x1], $0xffff;
	[tilespmem:s15+$0x1CE0 ss:$0x21] =	vst.msk $0xffff, v48  }
0x1c: {  	v54 =	vld.idx.msk [tilespmem:v0+s21+$0x850 ss:$0x1], $0xffff;
	[tilespmem:s15+$0x1EF0 ss:$0x21] =	vst.msk $0xffff, v49  }
0x1d: {  	v55 =	vld.idx.msk [tilespmem:v0+s21+$0x860 ss:$0x1], $0xffff;
	[tilespmem:s15+$0x2310 ss:$0x21] =	vst.msk $0xffff, v50  }
0x1e: {  	v56 =	vld.idx.msk [tilespmem:v0+s21+$0x870 ss:$0x1], $0xffff;
	[tilespmem:s15+$0x2520 ss:$0x21] =	vst.msk $0xffff, v51  }
0x1f: {  	v57 =	vld.idx.msk [tilespmem:v0+s21+$0xC10 ss:$0x1], $0xffff;
	[tilespmem:s15+$0x2730 ss:$0x21] =	vst.msk $0xffff, v52  }
0x20: {  	v58 =	vld.idx.msk [tilespmem:v0+s21+$0xC20 ss:$0x1], $0xffff;
	[tilespmem:s15+$0x2940 ss:$0x21] =	vst.msk $0xffff, v53  }
0x21: {  	v59 =	vld.idx.msk [tilespmem:v0+s21+$0xC30 ss:$0x1], $0xffff;
	[tilespmem:s15+$0x2B50 ss:$0x21] =	vst.msk $0xffff, v54  }
0x22: {  	v60 =	vld.idx.msk [tilespmem:v0+s21+$0xC40 ss:$0x1], $0xffff;
	[tilespmem:s15+$0x2D60 ss:$0x21] =	vst.msk $0xffff, v55  }
0x23: {  	v61 =	vld.idx.msk [tilespmem:v0+s21+$0xC50 ss:$0x1], $0xffff;
	[tilespmem:s15+$0x2F70 ss:$0x21] =	vst.msk $0xffff, v56  }
0x24: {  	v62 =	vld.idx.msk [tilespmem:v0+s21+$0xC60 ss:$0x1], $0xffff;
	[tilespmem:s15+$0x3390 ss:$0x21] =	vst.msk $0xffff, v57  }
0x25: {  	v63 =	vld.idx.msk [tilespmem:v0+s21+$0xC70 ss:$0x1], $0xffff;
	[tilespmem:s15+$0x35A0 ss:$0x21] =	vst.msk $0xffff, v58  }
0x26: {  	v32 =	vld [tilespmem:s26+$0xC00];
	[tilespmem:s15+$0x37B0 ss:$0x21] =	vst.msk $0xffff, v59  }
0x27: {  	v33 =	vld [tilespmem:s26+$0x0];
	[tilespmem:s15+$0x39C0 ss:$0x21] =	vst.msk $0xffff, v60  }
0x28: {  	v34 =	vld [tilespmem:s26+$0x10];
	[tilespmem:s15+$0x3BD0 ss:$0x21] =	vst.msk $0xffff, v61  }
0x29: {  	v35 =	vld [tilespmem:s26+$0x20];
	[tilespmem:s15+$0x3DE0 ss:$0x21] =	vst.msk $0xffff, v62  }
0x2a: {  	v36 =	vld [tilespmem:s26+$0x30];
	[tilespmem:s15+$0x3FF0 ss:$0x21] =	vst.msk $0xffff, v63  }
0x2b: {  	v37 =	vld [tilespmem:s26+$0x40];
	[tilespmem:s15+$0x3180 ss:$0x21] =	vst.msk $0xffff, v32  }
0x2c: {  	v38 =	vld [tilespmem:s26+$0x50];
	[tilespmem:s15+$0x0 ss:$0x21] =	vst.msk $0xffff, v33  }
0x2d: {  	v39 =	vld [tilespmem:s26+$0x60];
	[tilespmem:s15+$0x210 ss:$0x21] =	vst.msk $0xffff, v34  }
0x2e: {  	v40 =	vld [tilespmem:s26+$0x70];
	[tilespmem:s15+$0x420 ss:$0x21] =	vst.msk $0xffff, v35  }
0x2f: {  	s13 =	sshll.u32 s13, $0x7;
	s28 =	sshll.u32 s12, $0x3;
	v41 =	vld [tilespmem:s26+$0x400];
	[tilespmem:s15+$0x630 ss:$0x21] =	vst.msk $0xffff, v36  }
0x30: {  	s29 =	sand.u32 $0x7FFFC00, s13;
	s16 =	sand.u32 $0x7FFFC00, s28;
	v42 =	vld [tilespmem:s26+$0x800];
	[tilespmem:s15+$0x840 ss:$0x21] =	vst.msk $0xffff, v37  }
0x31: {  	s13 =	sand.u32 $0x380, s13;
	s16 =	sadd.s32 s16, s29;
	[tilespmem:s15+$0xA50 ss:$0x21] =	vst.msk $0xffff, v38  }
0x32: {  	s30 =	sshrl.u32 s12, $0x3;
	s13 =	sor.u32 s13, s16;
	[tilespmem:s15+$0xC60 ss:$0x21] =	vst.msk $0xffff, v39  }
0x33: {  	s31 =	sand.u32 $0x7, s12;
	s16 =	sand.u32 $0xF, s30;
	s13 =	sshrl.u32 s13, $0x3;
	[tilespmem:s15+$0xE70 ss:$0x21] =	vst.msk $0xffff, v40  }
0x34: {  	s12 =	sshll.u32 s31, $0x12;
	s16 =	sadd.s32 s6, s16;
	s13 =	sand.u32 $0xFFFFF0, s13;
	[tilespmem:s15+$0x1080 ss:$0x21] =	vst.msk $0xffff, v41  }
0x35: {  	s12 =	sor.u32 $0x20, s12;
	s13 =	sadd.s32 s13, s16;
	[tilespmem:s15+$0x2100 ss:$0x21] =	vst.msk $0xffff, v42  }
0x36: {  	[hbm4b:s13+s12] =	stream.strided.scatter [tilespmem:s14], [sflag:$0x2], $0x4000, s8, s12, $0x10;
	[tilespmem:$0x10400] =	vst v63  }
.LBB1_5:
0x37: {  	s14 =	sadd.s32 $0x4000, s9  }
0x38: {  	s12 =	sadd.s32 $0x20, s10;
	s16 =	smov.u32 s10;
	p2 =	sgt.s32 s14, $0xFFFFF  }
0x39: {  	s16 =	smov.u32 @p2 s12  }
0x3a: {  	s14 =	smov.u32 @p2 s2;
	p2 =	sgt.s32 s16, $0x1F  }
0x3b: {  	s16 =	simm.s32 @p2 $0x0;
	p2 =	sne.s32 s11, s7  }
.Ltmp1:
0x3c: {  	p1 =	slt.u32 s11, $0x2;
	(pc) =	sbr.rel @!p2 .LBB1_6-.Ltmp1, $4  }
0x3d: {  	s15 =	simm.s32 @!p1 $0x2  }
0x3e: {  	s13 =	smov.u32 s9;
	p0 =	por !p0, !p0;
	_ =	swait.ge @!p1 [sflag:s15], $0x4000  }
0x3f: {  	s12 =	smov.u32 s10;
	[sflag:s15] =	ssyncset.done @!p1 $0x0;
	s9 =	smov.u32 s14  }
0x40: {  	s11 =	sadd.s32 $0x1, s11;
	[sflag:s15] =	ssyncadd.s32 @!p1 $0xFFFFC000;
	s10 =	smov.u32 s16  }
.LBB1_1:
0x41: {  	p1 =	sge.u32 s11, s5;
	s31 =	sadd.s32 $0xFFFFFFFF, s11  }
0x42: {  	s14 =	sand.u32 @!p1 $0x78, s9;
	s15 =	sshll.u32 @!p1 s10, $0x14;
	s16 =	sshll.u32 @!p1 s10, $0x7  }
0x43: {  	s17 =	sshll.u32 @!p1 s9, $0x3;
	s15 =	sand.u32 @!p1 $0x1800000, s15;
	s16 =	sand.u32 @!p1 $0x380, s16  }
0x44: {  	s15 =	sadd.s32 @!p1 s15, s17;
	s17 =	sand.u32 @!p1 $0xFFC00, s17;
	s14 =	sor.u32 @!p1 s16, s14  }
0x45: {  	s16 =	sxor.u32 @!p1 $0xFFFFFFFF, s11;
	s15 =	sand.u32 @!p1 $0x1F00000, s15;
	s14 =	sor.u32 @!p1 s17, s14  }
0x46: {  	s16 =	sshll.u32 @!p1 s16, $0xE;
	s14 =	sor.u32 @!p1 s15, s14;
	s15 =	sand.u32 @!p1 $0x7, s9  }
0x47: {  	s17 =	simm.s32 @!p1 $0x800000;
	s14 =	sshrl.u32 @!p1 s14, $0x3;
	s15 =	sshll.u32 @!p1 s15, $0x12  }
0x48: {  	s16 =	sand.u32 @!p1 $0x4000, s16;
	s14 =	sadd.s32 @!p1 s3, s14;
	s15 =	sor.u32 @!p1 $0x1000, s15  }
0x49: {  	[tilespmem:s16], [sflag:$0x1] =	stream.strided.gather @!p1 [hbm4b:s14+s15], $0x4000, s17, s15, $0x38;
	[tilespmem:$0x10400] =	vst v63  }
0x4a: {  	p1 =	sge.u32 s31, s5  }
.Ltmp2:
0x4b: {  	_ = 	snop;
	(pc) =	sbr.rel @p1 .LBB1_5-.Ltmp2, $1  }
0x4c: {  	_ =	sdelay $0x3  }
0x4d: {  	s17 =	simm.s32 $0x0  }
0x4e: {  	s16 =	sand.u32 $0x3000, s17;
	s18 =	sand.u32 $0x380, s17  }
0x4f: {  	s14 =	sand.u32 $0x1, s11;
	s16 =	sor.u32 s18, s16  }
0x50: {  	_ =	swait.ge [sflag:s4], $0x4000;
	s15 =	sshll.u32 s14, $0xE;
	s18 =	sand.u32 $0x3200, s16  }
0x51: {  	[sflag:s4] =	ssyncset.done $0x0;
	s17 =	sand.u32 $0x180, s17;
	s18 =	sadd.s32 s18, s15  }
0x52: {  	[sflag:s4] =	ssyncadd.s32 $0xFFFFC000;
	s20 =	sadd.s32 s17, s18  }
0x53: {  	v4 =	vld [tilespmem:s20+$0xC00]  }
0x54: {  	s19 =	simm.s32 $0x1;
	v0 =	vmov s15;
	v5 =	vld [tilespmem:s20+$0x0]  }
0x55: {  	s19 =	simm.s32 @!p0 $0x0;
	v6 =	vld [tilespmem:s20+$0x10]  }
0x56: {  	s31 =	smul.u32 $0x10800, s19;
	v7 =	vld [tilespmem:s20+$0x20]  }
0x57: {  	v8 =	vld [tilespmem:s20+$0x30]  }
0x58: {  	s17 =	sshrl.u32 s31, $0x2;
	v9 =	vld [tilespmem:s20+$0x40]  }
0x59: {  	s17 =	sor.u32 $0x8000, s17;
	v1 =	vld.idx.msk [tilespmem:v0+s16+$0x410 ss:$0x1], $0xffff  }
0x5a: {  	v2 =	vld.idx.msk [tilespmem:v0+s16+$0x420 ss:$0x1], $0xffff;
	s18 =	sadd.s32 $0x0, s17  }
0x5b: {  	v3 =	vld.idx.msk [tilespmem:v0+s16+$0x430 ss:$0x1], $0xffff;
	[tilespmem:s18+$0x3180 ss:$0x21] =	vst.msk $0xffff, v4  }
0x5c: {  	v10 =	vld.idx.msk [tilespmem:v0+s16+$0x820 ss:$0x1], $0xffff;
	[tilespmem:s18+$0x0 ss:$0x21] =	vst.msk $0xffff, v5  }
0x5d: {  	v11 =	vld.idx.msk [tilespmem:v0+s16+$0x830 ss:$0x1], $0xffff;
	[tilespmem:s18+$0x210 ss:$0x21] =	vst.msk $0xffff, v6  }
0x5e: {  	v12 =	vld.idx.msk [tilespmem:v0+s16+$0x840 ss:$0x1], $0xffff;
	[tilespmem:s18+$0x420 ss:$0x21] =	vst.msk $0xffff, v7  }
0x5f: {  	v13 =	vld.idx.msk [tilespmem:v0+s16+$0x850 ss:$0x1], $0xffff;
	[tilespmem:s18+$0x630 ss:$0x21] =	vst.msk $0xffff, v8  }
0x60: {  	v4 =	vld [tilespmem:s20+$0x50];
	[tilespmem:s18+$0x840 ss:$0x21] =	vst.msk $0xffff, v9  }
0x61: {  	v5 =	vld [tilespmem:s20+$0x60];
	[tilespmem:s18+$0x1290 ss:$0x21] =	vst.msk $0xffff, v1  }
0x62: {  	v6 =	vld [tilespmem:s20+$0x70];
	[tilespmem:s18+$0x14A0 ss:$0x21] =	vst.msk $0xffff, v2  }
0x63: {  	v7 =	vld [tilespmem:s20+$0x400];
	[tilespmem:s18+$0x16B0 ss:$0x21] =	vst.msk $0xffff, v3  }
0x64: {  	v8 =	vld [tilespmem:s20+$0x800];
	[tilespmem:s18+$0x2520 ss:$0x21] =	vst.msk $0xffff, v10  }
0x65: {  	v9 =	vld.idx.msk [tilespmem:v0+s16+$0x470 ss:$0x1], $0xffff;
	[tilespmem:s18+$0x2730 ss:$0x21] =	vst.msk $0xffff, v11  }
0x66: {  	v3 =	vld.idx.msk [tilespmem:v0+s16+$0xC10 ss:$0x1], $0xffff;
	[tilespmem:s18+$0x2940 ss:$0x21] =	vst.msk $0xffff, v12  }
0x67: {  	v1 =	vld.idx.msk [tilespmem:v0+s16+$0xC20 ss:$0x1], $0xffff;
	[tilespmem:s18+$0x2B50 ss:$0x21] =	vst.msk $0xffff, v13  }
0x68: {  	v2 =	vld.idx.msk [tilespmem:v0+s16+$0xC30 ss:$0x1], $0xffff;
	[tilespmem:s18+$0xA50 ss:$0x21] =	vst.msk $0xffff, v4  }
0x69: {  	[tilespmem:s18+$0xE70 ss:$0x21] =	vst.msk $0xffff, v6;
	v6 =	vld.idx.msk [tilespmem:v0+s16+$0x460 ss:$0x1], $0xffff  }
0x6a: {  	v4 =	vld.idx.msk [tilespmem:v0+s16+$0x440 ss:$0x1], $0xffff;
	[tilespmem:s18+$0xC60 ss:$0x21] =	vst.msk $0xffff, v5  }
0x6b: {  	v5 =	vld.idx.msk [tilespmem:v0+s16+$0x450 ss:$0x1], $0xffff;
	[tilespmem:s18+$0x1080 ss:$0x21] =	vst.msk $0xffff, v7  }
0x6c: {  	[tilespmem:s18+$0x2100 ss:$0x21] =	vst.msk $0xffff, v8;
	v8 =	vld.idx.msk [tilespmem:v0+s16+$0x810 ss:$0x1], $0xffff  }
0x6d: {  	v7 =	vld.idx.msk [tilespmem:v0+s16+$0x860 ss:$0x1], $0xffff;
	[tilespmem:s18+$0x1EF0 ss:$0x21] =	vst.msk $0xffff, v9  }
0x6e: {  	s14 =	smul.u32 $0x10800, s14;
	[tilespmem:s18+$0x1CE0 ss:$0x21] =	vst.msk $0xffff, v6;
	v6 =	vld.idx.msk [tilespmem:v0+s16+$0x870 ss:$0x1], $0xffff  }
0x6f: {  	s21 =	simm.s32 $0x200;
	s22 =	simm.s32 $0x8;
	[tilespmem:s18+$0x18C0 ss:$0x21] =	vst.msk $0xffff, v4;
	v4 =	vld.idx.msk [tilespmem:v0+s16+$0xC40 ss:$0x1], $0xffff  }
0x70: {  	s23 =	sand.u32 $0x3000, s21;
	s14 =	sshrl.u32 s14, $0x2;
	s20 =	simm.s32 $0x80;
	[tilespmem:s18+$0x1AD0 ss:$0x21] =	vst.msk $0xffff, v5;
	v5 =	vld.idx.msk [tilespmem:v0+s16+$0xC50 ss:$0x1], $0xffff  }
0x71: {  	s19 =	simm.s32 $0x4;
	s14 =	sor.u32 $0x8000, s14;
	s24 =	sand.u32 $0x380, s20;
	[tilespmem:s18+$0x2310 ss:$0x21] =	vst.msk $0xffff, v8;
	v8 =	vld.idx.msk [tilespmem:v0+s16+$0xC60 ss:$0x1], $0xffff  }
.LBB1_3:
0x72: {  	p1 =	sne.s32 s22, $0x7C;
	[tilespmem:s18+$0x2D60 ss:$0x21] =	vst.msk $0xffff, v7;
	v7 =	vld.idx.msk [tilespmem:v0+s16+$0xC70 ss:$0x1], $0xffff;
	s16 =	sor.u32 s24, s23  }
0x73: {  	s23 =	sand.u32 $0x3200, s16;
	v9 =	vld.idx.msk [tilespmem:v0+s16+$0x410 ss:$0x1], $0xffff;
	[tilespmem:s18+$0x2F70 ss:$0x21] =	vst.msk $0xffff, v6  }
0x74: {  	s24 =	sand.u32 $0x180, s20;
	s23 =	sadd.s32 s23, s15;
	v6 =	vld.idx.msk [tilespmem:v0+s16+$0x420 ss:$0x1], $0xffff;
	[tilespmem:s18+$0x3390 ss:$0x21] =	vst.msk $0xffff, v3  }
0x75: {  	s23 =	sadd.s32 s24, s23;
	v3 =	vld.idx.msk [tilespmem:v0+s16+$0x430 ss:$0x1], $0xffff;
	[tilespmem:s18+$0x35A0 ss:$0x21] =	vst.msk $0xffff, v1  }
0x76: {  	v1 =	vld [tilespmem:s23+$0xC00];
	[tilespmem:s18+$0x37B0 ss:$0x21] =	vst.msk $0xffff, v2  }
0x77: {  	v2 =	vld [tilespmem:s23+$0x0];
	[tilespmem:s18+$0x39C0 ss:$0x21] =	vst.msk $0xffff, v4  }
0x78: {  	v4 =	vld [tilespmem:s23+$0x10];
	[tilespmem:s18+$0x3BD0 ss:$0x21] =	vst.msk $0xffff, v5  }
0x79: {  	s24 =	sshra.s32 s19, $0x2;
	s19 =	smov.u32 s22;
	v5 =	vld [tilespmem:s23+$0x20];
	[tilespmem:s18+$0x3DE0 ss:$0x21] =	vst.msk $0xffff, v8  }
0x7a: {  	v8 =	vld [tilespmem:s23+$0x30];
	[tilespmem:s18+$0x3FF0 ss:$0x21] =	vst.msk $0xffff, v7;
	s18 =	sadd.s32 s24, s17  }
0x7b: {  	v7 =	vld [tilespmem:s23+$0x40];
	[tilespmem:s18+$0x3180 ss:$0x21] =	vst.msk $0xffff, v1  }
0x7c: {  	[tilespmem:s18+$0x0 ss:$0x21] =	vst.msk $0xffff, v2;
	v1 =	vld [tilespmem:s23+$0x50]  }
0x7d: {  	[tilespmem:s18+$0x210 ss:$0x21] =	vst.msk $0xffff, v4;
	v2 =	vld [tilespmem:s23+$0x60]  }
0x7e: {  	[tilespmem:s18+$0x420 ss:$0x21] =	vst.msk $0xffff, v5;
	v4 =	vld [tilespmem:s23+$0x70]  }
0x7f: {  	[tilespmem:s18+$0x630 ss:$0x21] =	vst.msk $0xffff, v8;
	v5 =	vld [tilespmem:s23+$0x400]  }
0x80: {  	[tilespmem:s18+$0x840 ss:$0x21] =	vst.msk $0xffff, v7;
	v7 =	vld [tilespmem:s23+$0x800]  }
0x81: {  	[tilespmem:s18+$0xA50 ss:$0x21] =	vst.msk $0xffff, v1;
	v1 =	vld.idx.msk [tilespmem:v0+s16+$0x440 ss:$0x1], $0xffff  }
0x82: {  	[tilespmem:s18+$0xC60 ss:$0x21] =	vst.msk $0xffff, v2;
	v2 =	vld.idx.msk [tilespmem:v0+s16+$0x450 ss:$0x1], $0xffff  }
0x83: {  	[tilespmem:s18+$0xE70 ss:$0x21] =	vst.msk $0xffff, v4;
	v4 =	vld.idx.msk [tilespmem:v0+s16+$0x460 ss:$0x1], $0xffff  }
0x84: {  	[tilespmem:s18+$0x1080 ss:$0x21] =	vst.msk $0xffff, v5;
	v5 =	vld.idx.msk [tilespmem:v0+s16+$0x470 ss:$0x1], $0xffff  }
0x85: {  	[tilespmem:s18+$0x2100 ss:$0x21] =	vst.msk $0xffff, v7;
	v8 =	vld.idx.msk [tilespmem:v0+s16+$0x810 ss:$0x1], $0xffff  }
0x86: {  	[tilespmem:s18+$0x1290 ss:$0x21] =	vst.msk $0xffff, v9;
	v9 =	vld.idx.msk [tilespmem:v0+s16+$0x820 ss:$0x1], $0xffff  }
0x87: {  	[tilespmem:s18+$0x14A0 ss:$0x21] =	vst.msk $0xffff, v6;
	v10 =	vld.idx.msk [tilespmem:v0+s16+$0x830 ss:$0x1], $0xffff  }
0x88: {  	[tilespmem:s18+$0x16B0 ss:$0x21] =	vst.msk $0xffff, v3;
	v11 =	vld.idx.msk [tilespmem:v0+s16+$0x840 ss:$0x1], $0xffff  }
0x89: {  	[tilespmem:s18+$0x18C0 ss:$0x21] =	vst.msk $0xffff, v1;
	v12 =	vld.idx.msk [tilespmem:v0+s16+$0x850 ss:$0x1], $0xffff  }
0x8a: {  	[tilespmem:s18+$0x1AD0 ss:$0x21] =	vst.msk $0xffff, v2;
	v7 =	vld.idx.msk [tilespmem:v0+s16+$0x860 ss:$0x1], $0xffff  }
0x8b: {  	[tilespmem:s18+$0x1CE0 ss:$0x21] =	vst.msk $0xffff, v4;
	v6 =	vld.idx.msk [tilespmem:v0+s16+$0x870 ss:$0x1], $0xffff  }
0x8c: {  	[tilespmem:s18+$0x1EF0 ss:$0x21] =	vst.msk $0xffff, v5;
	v3 =	vld.idx.msk [tilespmem:v0+s16+$0xC10 ss:$0x1], $0xffff  }
.Ltmp3:
0x8d: {  	[tilespmem:s18+$0x2310 ss:$0x21] =	vst.msk $0xffff, v8;
	v1 =	vld.idx.msk [tilespmem:v0+s16+$0xC20 ss:$0x1], $0xffff;
	(pc) =	sbr.rel @p1 .LBB1_3-.Ltmp3, $4  }
0x8e: {  	[tilespmem:s18+$0x2520 ss:$0x21] =	vst.msk $0xffff, v9;
	v2 =	vld.idx.msk [tilespmem:v0+s16+$0xC30 ss:$0x1], $0xffff  }
0x8f: {  	[tilespmem:s18+$0x2730 ss:$0x21] =	vst.msk $0xffff, v10;
	v4 =	vld.idx.msk [tilespmem:v0+s16+$0xC40 ss:$0x1], $0xffff  }
0x90: {  	s20 =	sadd.s32 $0x80, s20;
	s21 =	sadd.s32 $0x200, s21;
	[tilespmem:s18+$0x2940 ss:$0x21] =	vst.msk $0xffff, v11;
	v5 =	vld.idx.msk [tilespmem:v0+s16+$0xC50 ss:$0x1], $0xffff  }
0x91: {  	s22 =	sadd.s32 $0x4, s22;
	s24 =	sand.u32 $0x380, s20;
	s23 =	sand.u32 $0x3000, s21;
	[tilespmem:s18+$0x2B50 ss:$0x21] =	vst.msk $0xffff, v12;
	v8 =	vld.idx.msk [tilespmem:v0+s16+$0xC60 ss:$0x1], $0xffff  }
.Ltmp4:
0x92: {  	_ = 	snop;
	(pc) =	sbr.rel .LBB1_4-.Ltmp4, $1  }
0x93: {  	_ =	sdelay $0x3  }
.LBB1_6:
0x94: {  	_ =	sfence.sel $0x180000  }
0x95: {  	s2 =	simm.s32 $0x1;
	[bflag:$0x0] =	sbarrier.arrive $0xFFFF  }
0x96: {  	s31 =	simm.s32 $0x2;
	[sflag:s2] =	ssyncpa.u1 $0x1  }
0x97: {  	[sflag:s31] =	ssyncpa.u1 $0x1  }
0x98: {  	p0 =	sne.s32 s0, $0x0;
	_ =	strace $0x90000047  }
0x99: {  	s0 =	sadd.s32 @!p0 $0x100000, s1;
	[bflag:$0x2] =	sbarrier.arrive $0xFFFF  }
0x9a: {  	[sflag:s0] =	ssyncadd.tile.s32 @!p0 $0x1;
	_ =	shalt  }
.Lfunc_end1:
_tile_overlayer_lowered:
.L_overlay_start_2:
0x9b: {  	(tag) =	ssettag $0x2  }
0x9c: {  	s0 =	rddreg [dreg:$0x0];
	s2 =	stileid.u32  }
0x9d: {  	s1 =	rddreg [dreg:$0x1];
	p0 =	sne.s32 s2, $0x0  }
0x9e: {  	s3 =	rddreg [dreg:$0x2];
	[bflag:$0x3] =	sbarrier.arrive $0xFFFF;
	s2 =	simm.s32 @!p0 $0x1C01  }
0x9f: {  	[timem:s3], [sflag:s2] =	dma.local @!p0 [hbm:s0], s1  }
0xa0: {  	s0 =	simm.s32 @!p0 $0x1  }
0xa1: {  	_ =	swait.ge @!p0 [sflag:s0], s1  }
0xa2: {  	s1 =	ssub.s32 @!p0 $0x0, s1;
	[sflag:s0] =	ssyncset.done @!p0 $0x0  }
0xa3: {  	[sflag:s0] =	ssyncadd.s32 @!p0 s1  }
0xa4: {  	[bflag:$0x3] =	sbarrier.arrive $0xFFFF  }
0xa5: {  	_ =	shalt  }

// kernel: sparse-core-data-format-call.cloned.1.call-start
scs
called_computation_lowered:
.L_overlay_start_0:
0x0: {  	s2 =	sld [smem:$0x3FD9]  }
0x1: {  	s3 =	sld [smem:$0x3FFE];
	_ =	sdelay $0x1  }
0x2: {  	s1 =	srdreg.scid  }
0x3: {  	s0 =	sand.u32 $0x1, s1  }
0x4: {  	s18 =	sshll.u32 s0, $0xA;
	s2 =	sadd.s32 s3, s2  }
0x5: {  	s2 =	sadd.s32 s2, s18  }
0x6: {  	[smem:$0x3FC7] =	sst s2  }
0x7: {  	_ = 	snop  }
0x8: {  	s2 =	sld [smem:$0x3FD0];
	(tm) =	ssettm $0x1  }
0x9: {  	s19 =	sld [smem:$0x3FFB];
	_ =	sdelay $0x3  }
0xa: {  	_ =	strace s19  }
0xb: {  	s3 =	sld [smem:$0x3FFC];
	_ =	sdelay $0x3  }
0xc: {  	_ =	strace s3  }
0xd: {  	s3 =	sld [smem:$0x3FFD];
	_ =	sdelay $0x3  }
0xe: {  	_ =	strace s3  }
0xf: {  	_ =	strace $0x8FFFFFFF  }
0x10: {  	s20 =	sld [smem:$0x3FDB];
	_ =	sdelay $0x1  }
0x11: {  	s4 =	simm.s32 $_scs_section_size  }
0x12: {  	s5 =	simm.s32 $_size__tile_overlayer_lowered;
	s6 =	simm.s32 $_tile_overlayer_lowered  }
0x13: {  	s23 =	simm.s32 $0x1BFF;
	s22 =	sshll.u32 s6, $0x1;
	s3 =	sadd.s32 s4, s20  }
0x14: {  	s7 =	simm.s32 $0x0;
	s21 =	sshll.u32 s5, $0x1;
	s5 =	sadd.s32 s22, s3  }
0x15: {  	[timem:s7], [sflag:s23] =	dma.local [hbm:s5], s21  }
0x16: {  	_ =	swait.ge [sflag:s23], s21  }
0x17: {  	s4 =	ssub.s32 $0x0, s21;
	[sflag:s23] =	ssyncset.done $0x0  }
0x18: {  	[sflag:s23] =	ssyncadd.s32 s4;
	_ =	sdelay $0x1  }
0x19: {  	s24 =	simm.s32 $0x1B8B  }
0x1a: {  	_ =	swait.ge [sflag:s24], $0x1  }
0x1b: {  	[sflag:s24] =	ssyncset.done $0x0  }
0x1c: {  	s26 =	simm.s32 $0x1B8E;
	s25 =	sld [smem:$0x3FFE];
	[sflag:s24] =	ssyncadd.s32 $0xFFFFFFFF  }
0x1d: {  	s27 =	simm.s32 $execute0_lowered;
	[smem:$0x3FD2] =	sst s26  }
0x1e: {  	s5 =	sshll.u32 s27, $0x1;
	_ =	strace $0x8000004C;
	[dreg:$0x1] =	wrdreg $0xFFFFFFFF  }
0x1f: {  	s28 =	simm.s32 $_size_execute0_lowered;
	s3 =	sadd.s32 s3, s5;
	[dreg:$0x0] =	wrdreg $0x0  }
0x20: {  	s5 =	sshll.u32 s28, $0x1;
	[dreg:$0x2] =	wrdreg s3  }
0x21: {  	[dreg:$0x3] =	wrdreg s5  }
0x22: {  	[dreg:$0x4] =	wrdreg $0xC0  }
0x23: {  	_ =	task [dreg:s7], $0x5FFFF  }
0x24: {  	[dreg:$0x1] =	wrdreg $0xFFFFFFFF  }
0x25: {  	[dreg:$0x0] =	wrdreg $0x60  }
0x26: {  	[dreg:$0x2] =	wrdreg s25  }
0x27: {  	[dreg:$0x3] =	wrdreg s2  }
0x28: {  	[dreg:$0x4] =	wrdreg $0x9  }
0x29: {  	_ =	task.clear_ibuf [dreg:s7], $0x5FFFF;
	_ =	strace $0x9000004C  }
0x2a: {  	s29 =	simm.s32 $0x9;
	_ =	strace $0x8000004E  }
0x2b: {  	_ =	swait.ge [sflag:s29], $0x1  }
0x2c: {  	[sflag:s29] =	ssyncadd.s32 $0xFFFFFFFF  }
0x2d: {  	_ =	strace $0x9000004E  }
0x2e: {  	_ =	sfence  }
0x2f: {  	s30 =	sld [smem:$0x0];
	_ =	sdelay $0x2  }
0x30: {  	s31 =	sshll.u32 s1, $0xD;
	s1 =	sshrl.u32 s1, $0x2  }
0x31: {  	s3 =	sand.u32 $0x4000, s31;
	s1 =	sadd.s32 s1, s30  }
0x32: {  	s0 =	sor.u32 s3, s0;
	s1 =	sshll.u32 s1, $0x11  }
0x33: {  	s0 =	sor.u32 s1, s0  }
0x34: {  	s0 =	sadd.s32 $0x8F2B, s0  }
0x35: {  	[sflag:s0] =	ssyncadd.remote.s32 $0x1  }
0x36: {  	_ =	sfence.sel $0xFFFF  }
0x37: {  	[dreg:$0x0] =	wrdreg $0xFFFFFFFF;
	(pc) =	sbr.abs _section_cstart, $3  }
0x38: {  	[dreg:$0x1] =	wrdreg $0xFFFFFFFF  }
0x39: {  	_ =	task.clear_ibuf [dreg:s7], $0x2FFFF;
	_ =	strace $0x9FFFFFFF  }
0x3a: {  	(tm) =	ssettm $0x7FFFFFFF  }
0x3b: {  	_ =	shalt  }
tec
execute0_lowered:
.L_overlay_start_1:
0x0: {  	(tag) =	ssettag $0x1  }
0x1: {  	s0 =	srdreg.scid  }
0x2: {  	s1 =	sshll.u32 s0, $0x4  }
0x3: {  	s4 =	rddreg [dreg:$0x0];
	s0 =	stileid.u32;
	s1 =	sand.u32 $0x10, s1  }
0x4: {  	s2 =	rddreg [dreg:$0x1];
	s7 =	simm.s32 $0x1;
	s1 =	sor.u32 s0, s1  }
0x5: {  	s8 =	simm.s32 $0x2;
	s11 =	simm.s32 $0x0;
	s3 =	sshll.u32 s1, $0x7  }
0x6: {  	s10 =	simm.s32 $0x0;
	s4 =	sadd.s32 $0x800000, s4;
	s6 =	ssub.s32 $0x100000, s3  }
.Ltmp0:
0x7: {  	s1 =	rddreg [dreg:$0x2];
	s5 =	sand.u32 $0xF80, s6;
	(pc) =	sbr.rel .LBB1_1-.Ltmp0, $4  }
0x8: {  	_ =	strace $0x8000004D;
	s9 =	smov.u32 s3;
	p0 =	sne.s32 s5, $0x0  }
0x9: {  	s6 =	sshrl.u32 s6, $0xC;
	s5 =	simm.s32 $0x1;
	s7 =	simm.s32 @!p0 $0x0  }
0xa: {  	[sflag:s5] =	ssyncpa.u1 $0x0;
	p0 =	por $0x0, $0x0;
	s6 =	sadd.s32 s7, s6  }
0xb: {  	[sflag:s8] =	ssyncpa.u1 $0x0;
	s8 =	simm.s32 $0x800000;
	s7 =	sadd.s32 $0x1, s6  }
.LBB1_4:
0xc: {  	s13 =	sshll.u32 s11, $0x3  }
0xd: {  	s15 =	sand.u32 $0x78, s11;
	s13 =	sand.u32 $0xFFC00, s13  }
0xe: {  	s30 =	sand.u32 $0x3E0000, s11;
	s31 =	sand.u32 $0x7, s11;
	s13 =	sor.u32 s15, s13  }
0xf: {  	s11 =	sshll.u32 s31, $0x12;
	s15 =	sadd.s32 s2, s30;
	s13 =	sshrl.u32 s13, $0x3  }
0x10: {  	[tilespmem:s14+$0x0 ss:$0x81] =	vst.msk $0xffff, v0;
	s11 =	sor.u32 $0x400, s11;
	s13 =	sadd.s32 s13, s15  }
0x11: {  	[hbm4b:s13+s11] =	stream.strided.scatter [tilespmem:s12], [sflag:$0x2], $0x1000, s8, s11, $0x20;
	[tilespmem:$0x4040] =	vst v63  }
.LBB1_5:
0x12: {  	s13 =	sadd.s32 $0x1000, s9  }
0x13: {  	p2 =	sgt.s32 s13, $0xFFFFF  }
0x14: {  	s13 =	smov.u32 @p2 s3;
	p2 =	sne.s32 s10, s7  }
.Ltmp1:
0x15: {  	p1 =	slt.u32 s10, $0x2;
	(pc) =	sbr.rel @!p2 .LBB1_6-.Ltmp1, $4  }
0x16: {  	s12 =	simm.s32 @!p1 $0x2  }
0x17: {  	s14 =	sadd.s32 $0x1, s10;
	_ =	swait.ge @!p1 [sflag:s12], $0x1000  }
0x18: {  	s11 =	smov.u32 s9;
	p0 =	por !p0, !p0;
	[sflag:s12] =	ssyncset.done @!p1 $0x0  }
0x19: {  	s10 =	smov.u32 s14;
	s9 =	smov.u32 s13;
	[sflag:s12] =	ssyncadd.s32 @!p1 $0xFFFFF000  }
.LBB1_1:
0x1a: {  	p1 =	sge.u32 s10, s6  }
0x1b: {  	s31 =	sadd.s32 $0xFFFFFFFF, s10;
	s12 =	sxor.u32 @!p1 $0xFFFFFFFF, s10;
	s13 =	sshll.u32 @!p1 s9, $0x4  }
0x1c: {  	s14 =	simm.s32 @!p1 $0x20;
	s12 =	sshll.u32 @!p1 s12, $0xC;
	s13 =	sand.u32 @!p1 $0xFFFFF0, s13  }
0x1d: {  	s15 =	simm.s32 @!p1 $0x80;
	s12 =	sand.u32 @!p1 $0x1000, s12;
	s13 =	sadd.s32 @!p1 s4, s13  }
0x1e: {  	[tilespmem:s12], [sflag:$0x1] =	stream.strided.gather @!p1 [hbm4b:s13+s14], $0x1000, s15, s14, $0x38;
	[tilespmem:$0x4040] =	vst v63  }
0x1f: {  	p1 =	sge.u32 s31, s6  }
.Ltmp2:
0x20: {  	_ = 	snop;
	(pc) =	sbr.rel @p1 .LBB1_5-.Ltmp2, $1  }
0x21: {  	_ =	sdelay $0x3  }
0x22: {  	s12 =	simm.s32 $0x1  }
0x23: {  	_ =	swait.ge [sflag:s5], $0x1000;
	s12 =	simm.s32 @!p0 $0x0  }
0x24: {  	[sflag:s5] =	ssyncset.done $0x0;
	s13 =	sshll.u32 s12, $0xC  }
0x25: {  	[sflag:s5] =	ssyncadd.s32 $0xFFFFF000;
	s16 =	sor.u32 $0x10, s13  }
0x26: {  	s12 =	smul.u32 $0x4080, s12;
	v1 =	vld [tilespmem:s16+$0x0]  }
0x27: {  	s30 =	sand.u32 $0x1, s10;
	v0 =	vld [tilespmem:s16+$0xFFFFFFF0]  }
0x28: {  	s14 =	smul.u32 $0x4080, s30;
	s12 =	sshrl.u32 s12, $0x2  }
0x29: {  	s13 =	sor.u32 $0x2000, s12  }
0x2a: {  	s31 =	sshrl.u32 s14, $0x2;
	s14 =	sadd.s32 $0x0, s13  }
0x2b: {  	s15 =	simm.s32 $0x4;
	s16 =	sadd.s32 $0x20, s16;
	s12 =	sor.u32 $0x2000, s31;
	[tilespmem:s14+$0x810 ss:$0x81] =	vst.msk $0xffff, v1  }
.LBB1_3:
0x2c: {  	v1 =	vld [tilespmem:s16+$0x0];
	p1 =	sne.s32 s15, $0x1FC;
	[tilespmem:s14+$0x0 ss:$0x81] =	vst.msk $0xffff, v0;
	s14 =	smov.u32 s15;
	s15 =	sadd.s32 $0x4, s15  }
.Ltmp3:
0x2d: {  	v0 =	vld [tilespmem:s16+$0xFFFFFFF0];
	(pc) =	sbr.rel @p1 .LBB1_3-.Ltmp3, $4  }
0x2e: {  	_ = 	snop  }
0x2f: {  	s14 =	sshra.s32 s14, $0x2  }
0x30: {  	s14 =	sadd.s32 s14, s13  }
0x31: {  	s16 =	sadd.s32 $0x20, s16;
	[tilespmem:s14+$0x810 ss:$0x81] =	vst.msk $0xffff, v1  }
.Ltmp4:
0x32: {  	_ = 	snop;
	(pc) =	sbr.rel .LBB1_4-.Ltmp4, $1  }
0x33: {  	_ =	sdelay $0x3  }
.LBB1_6:
0x34: {  	_ =	sfence.sel $0x180000  }
0x35: {  	s2 =	simm.s32 $0x1;
	[bflag:$0x0] =	sbarrier.arrive $0xFFFF  }
0x36: {  	s31 =	simm.s32 $0x2;
	[sflag:s2] =	ssyncpa.u1 $0x1  }
0x37: {  	[sflag:s31] =	ssyncpa.u1 $0x1  }
0x38: {  	p0 =	sne.s32 s0, $0x0;
	_ =	strace $0x9000004D  }
0x39: {  	s0 =	sadd.s32 @!p0 $0x100000, s1;
	[bflag:$0x2] =	sbarrier.arrive $0xFFFF  }
0x3a: {  	[sflag:s0] =	ssyncadd.tile.s32 @!p0 $0x1;
	_ =	shalt  }
.Lfunc_end1:
_tile_overlayer_lowered:
.L_overlay_start_2:
0x3b: {  	(tag) =	ssettag $0x2  }
0x3c: {  	s0 =	rddreg [dreg:$0x0];
	s2 =	stileid.u32  }
0x3d: {  	s1 =	rddreg [dreg:$0x1];
	p0 =	sne.s32 s2, $0x0  }
0x3e: {  	s3 =	rddreg [dreg:$0x2];
	[bflag:$0x3] =	sbarrier.arrive $0xFFFF;
	s2 =	simm.s32 @!p0 $0x1C01  }
0x3f: {  	[timem:s3], [sflag:s2] =	dma.local @!p0 [hbm:s0], s1  }
0x40: {  	s0 =	simm.s32 @!p0 $0x1  }
0x41: {  	_ =	swait.ge @!p0 [sflag:s0], s1  }
0x42: {  	s1 =	ssub.s32 @!p0 $0x0, s1;
	[sflag:s0] =	ssyncset.done @!p0 $0x0  }
0x43: {  	[sflag:s0] =	ssyncadd.s32 @!p0 s1  }
0x44: {  	[bflag:$0x3] =	sbarrier.arrive $0xFFFF  }
0x45: {  	_ =	shalt  }

</sc_bundles>
